<compile_context>
chip_gen: v7x
topology: tpu7x:2x2x1
jax: 0.10.2.dev20260603
libtpu: 0.0.44.dev20260713+nightly
codegen_flags: <defaults>
</compile_context>

<pallas_src>
import functools

import jax
import jax.numpy as jnp
from jax import lax
from jax.experimental import pallas as pl
from jax.experimental.pallas import tpu as pltpu
from jax.experimental.pallas import tpu_sc as plsc

_NUM_CORES = 2
_NUM_SUBCORES = 16
_NW = _NUM_CORES * _NUM_SUBCORES
_CHUNK = 128
_ROUNDS = 4


def _sc_gather(table, idx3):
    nw, nch, ch = idx3.shape
    n = nch * ch
    d = table.shape[1]
    nch_r = nch // _ROUNDS
    n_r = nch_r * ch
    mesh = plsc.VectorSubcoreMesh(core_axis_name="c", subcore_axis_name="s")

    @functools.partial(
        pl.kernel,
        out_type=jax.ShapeDtypeStruct((nw * n, d), jnp.float32),
        mesh=mesh,
        scratch_types=[
            pltpu.VMEM((nch, ch), jnp.int32),
            pltpu.VMEM((n_r, d), jnp.float32),
            pltpu.VMEM((n_r, d), jnp.float32),
            pltpu.SemaphoreType.DMA,
            pltpu.SemaphoreType.DMA,
        ],
    )
    def gather_kernel(table_hbm, idx_hbm, out_hbm, idx_v, rows_a, rows_b, sem_a, sem_b):
        wid = lax.axis_index("s") * _NUM_CORES + lax.axis_index("c")
        pltpu.sync_copy(idx_hbm.at[wid], idx_v)
        bufs = (rows_a, rows_b)
        sems = (sem_a, sem_b)
        gathers = [[] for _ in range(_ROUNDS)]
        for r in range(_ROUNDS):
            buf = bufs[r % 2]
            for j in range(nch_r):
                gathers[r].append(
                    pltpu.async_copy(
                        table_hbm.at[idx_v.at[r * nch_r + j]],
                        buf.at[pl.ds(j * ch, ch)],
                        sems[r % 2],
                    )
                )
            if r > 0:
                for c in gathers[r - 1]:
                    c.wait()
                pltpu.sync_copy(
                    bufs[(r - 1) % 2],
                    out_hbm.at[pl.ds(wid * n + (r - 1) * n_r, n_r)],
                )
        for c in gathers[_ROUNDS - 1]:
            c.wait()
        pltpu.sync_copy(
            bufs[(_ROUNDS - 1) % 2],
            out_hbm.at[pl.ds(wid * n + (_ROUNDS - 1) * n_r, n_r)],
        )

    return gather_kernel(table, idx3)


def _tc_span_matmul(E, lo, hi, tok3, bias2):
    b_dim, l_dim, d2 = E.shape
    d = d2 // 2
    s_dim = lo.shape[1]

    def body(e_ref, lo_ref, hi_ref, tok_ref, bias_ref, o_ref):
        pos = lax.broadcasted_iota(jnp.int32, (s_dim, l_dim), 1)
        span = (pos >= lo_ref[0]) & (pos < hi_ref[0])
        odd = (tok_ref[0] & 1) == 1
        mask_e = (span & jnp.logical_not(odd)).astype(jnp.float32)
        mask_o = (span & odd).astype(jnp.float32)
        e = e_ref[0]
        acc_e = lax.dot_general(
            mask_e, e, (((1,), (0,)), ((), ())),
            preferred_element_type=jnp.float32,
        )
        acc_o = lax.dot_general(
            mask_o, e, (((1,), (0,)), ((), ())),
            preferred_element_type=jnp.float32,
        )
        o_ref[0] = acc_e[:, :d] + acc_o[:, d:] + bias_ref[...]

    return pl.pallas_call(
        body,
        grid=(b_dim,),
        in_specs=[
            pl.BlockSpec((1, l_dim, d2), lambda b: (b, 0, 0)),
            pl.BlockSpec((1, s_dim, 1), lambda b: (b, 0, 0)),
            pl.BlockSpec((1, s_dim, 1), lambda b: (b, 0, 0)),
            pl.BlockSpec((1, 1, l_dim), lambda b: (b, 0, 0)),
            pl.BlockSpec((1, d), lambda b: (0, 0)),
        ],
        out_specs=pl.BlockSpec((1, s_dim, d), lambda b: (b, 0, 0)),
        out_shape=jax.ShapeDtypeStruct((b_dim, s_dim, d), jnp.float32),
    )(E, lo, hi, tok3, bias2)


def kernel(input, lengths, span_idxs, W, bias):
    tokens = input
    b_dim, l_dim = tokens.shape
    s_dim = span_idxs.shape[1]
    d = W.shape[0]
    table = W.T.reshape(W.shape[1] // 2, 2 * d)

    t_total = b_dim * l_dim
    per_w = t_total // _NW
    idx3 = (tokens >> 1).reshape(_NW, per_w // _CHUNK, _CHUNK)
    E = _sc_gather(table, idx3).reshape(b_dim, l_dim, 2 * d)

    lo = span_idxs[..., 0].reshape(b_dim, s_dim, 1)
    hi = span_idxs[..., 1].reshape(b_dim, s_dim, 1)
    tok3 = tokens.reshape(b_dim, 1, l_dim)
    return _tc_span_matmul(E, lo, hi, tok3, bias.reshape(1, d))

# --- scband reference (transcript-rebuilt; emitter-appended) ---
"""Pipeline reference for scband-seg-bow-37160057045658 (READ-ONLY COPY).

The authoritative reference and input builder live on the scoring server;
editing this copy changes nothing except your own understanding.
"""

import jax, jax.numpy as jnp
import numpy as np

VOCAB_SIZE = 100000
OUT_DIM = 64
MODE = 'count'
B, S, L = 8, 32, 4096


def setup_inputs(seed: int = 0) -> dict:
    key = jax.random.key(seed)
    k1, k2, k3, k4 = jax.random.split(key, 4)
    # token-id representation of the string input (vocab lookup pre-applied)
    tokens = jax.random.randint(k1, (B, L), 0, VOCAB_SIZE, dtype=jnp.int32)
    # span (i, j) pairs, sorted so i <= j within each span
    span_idxs = jnp.sort(jax.random.randint(k2, (B, S, 2), 0, L, dtype=jnp.int32), axis=-1)
    # all samples have equal length L (flat input already reshaped to [B, L])
    lengths = jnp.full((B,), L, dtype=jnp.int32)
    # reduce_dim linear parameters: Linear(vocab_size, out_dim)
    W = jax.random.normal(k3, (OUT_DIM, VOCAB_SIZE), dtype=jnp.float32) * 0.01
    bias = jax.random.normal(k4, (OUT_DIM,), dtype=jnp.float32) * 0.01
    return {"input": tokens, "lengths": lengths, "span_idxs": span_idxs, "W": W, "bias": bias}


def reference(input, lengths, span_idxs, W, bias):
    tokens = input
    Bb, Ll = tokens.shape
    Ss = span_idxs.shape[1]
    pos = jnp.arange(Ll)
    # mask[k, s, t] = 1 if token position t lies in span (i, j) of segment s of sample k
    lo = span_idxs[..., 0:1]
    hi = span_idxs[..., 1:2]
    mask = ((pos[None, None, :] >= lo) & (pos[None, None, :] < hi)).astype(jnp.float32)
    b_idx = jnp.broadcast_to(jnp.arange(Bb)[:, None, None], (Bb, Ss, Ll))
    s_idx = jnp.broadcast_to(jnp.arange(Ss)[None, :, None], (Bb, Ss, Ll))
    tok = jnp.broadcast_to(tokens[:, None, :], (Bb, Ss, Ll))
    # histogram / bag-of-words scatter-add over the vocab axis
    bow = jnp.zeros((Bb, Ss, VOCAB_SIZE), dtype=jnp.float32).at[b_idx, s_idx, tok].add(mask)
    if MODE == 'one_hot':
        bow = jnp.minimum(bow, 1.0)
    # reduce_dim: Linear(vocab_size -> out_dim); dropout p=0.0 is identity
    out = bow @ W.T + bias
    return out

if __name__ == "__main__":
    import jax
    _d = setup_inputs()
    print(jax.jit(kernel)(*tuple(_d.values())))

</pallas_src>

<mosaic_0001>
#map = affine_map<(d0, d1) -> (0, 0)>
#map1 = affine_map<(d0, d1) -> (0, 0, 0)>
module attributes {stable_mosaic.version = 14 : i64} {
  func.func @gather_kernel(%arg0: i32, %arg1: i32, %arg2: memref<50000x128xf32, #tpu.memory_space<hbm>>, %arg3: memref<32x8x128xi32, #tpu.memory_space<hbm>>, %arg4: memref<32768x128xf32, #tpu.memory_space<hbm>>, %arg5: memref<8x128xi32, #tpu.memory_space<vmem>>, %arg6: memref<256x128xf32, #tpu.memory_space<vmem>>, %arg7: memref<256x128xf32, #tpu.memory_space<vmem>>, %arg8: memref<!tpu.dma_semaphore, #tpu.memory_space<semaphore_mem>>, %arg9: memref<!tpu.dma_semaphore, #tpu.memory_space<semaphore_mem>>) attributes {dimension_semantics = [#tpu.dimension_semantics<core_parallel>, #tpu.dimension_semantics<subcore_parallel>], iteration_bounds = array<i64: 2, 16>, scalar_prefetch = 0 : i64, scratch_operands = 5 : i64, tpu.core_type = #tpu.core_type<sc_vector_subcore>, window_params = [{transform_indices = #map}, {transform_indices = #map1}, {transform_indices = #map}]} {
    %mul3A = arith.constant 2 : i32
    %mul3A_0 = arith.muli %arg1, %mul3A : i32
    %add3A = arith.addi %mul3A_0, %arg0 : i32
    "tpu.region"() ({
      %run_scoped3A = tpu.sem_alloc : memref<!tpu.dma_semaphore, #tpu.memory_space<semaphore_mem>>
      %dma_start3A_175 = arith.constant 0 : i32
      %dma_start3A_176 = arith.constant 0 : i32
      %dma_start3A_177 = tpu.memref_slice %arg3[%add3A, %dma_start3A_175, %dma_start3A_176] : memref<32x8x128xi32, #tpu.memory_space<hbm>> -> memref<1x8x128xi32, #tpu.memory_space<hbm>>
      %dma_start3A_178 = tpu.memref_squeeze %dma_start3A_177 : memref<1x8x128xi32, #tpu.memory_space<hbm>> -> memref<8x128xi32, #tpu.memory_space<hbm>>
      %dma_start3A_179 = arith.constant 0 : i32
      %dma_start3A_180 = arith.constant 0 : i32
      %dma_start3A_181 = tpu.memref_slice %arg3[%add3A, %dma_start3A_179, %dma_start3A_180] : memref<32x8x128xi32, #tpu.memory_space<hbm>> -> memref<1x8x128xi32, #tpu.memory_space<hbm>>
      %dma_start3A_182 = tpu.memref_squeeze %dma_start3A_181 : memref<1x8x128xi32, #tpu.memory_space<hbm>> -> memref<8x128xi32, #tpu.memory_space<hbm>>
      tpu.enqueue_dma source(%dma_start3A_182 : memref<8x128xi32, #tpu.memory_space<hbm>>) target(%arg5 : memref<8x128xi32, #tpu.memory_space<vmem>>) target_semaphore(%run_scoped3A : memref<!tpu.dma_semaphore, #tpu.memory_space<semaphore_mem>>)
      %dma_wait3A_183 = arith.constant 0 : i32
      %dma_wait3A_184 = arith.constant 0 : i32
      %dma_wait3A_185 = tpu.memref_slice %arg3[%add3A, %dma_wait3A_183, %dma_wait3A_184] : memref<32x8x128xi32, #tpu.memory_space<hbm>> -> memref<1x8x128xi32, #tpu.memory_space<hbm>>
      %dma_wait3A_186 = tpu.memref_squeeze %dma_wait3A_185 : memref<1x8x128xi32, #tpu.memory_space<hbm>> -> memref<8x128xi32, #tpu.memory_space<hbm>>
      %dma_wait3A_187 = arith.constant 0 : i32
      %dma_wait3A_188 = arith.constant 0 : i32
      %dma_wait3A_189 = tpu.memref_slice %arg3[%add3A, %dma_wait3A_187, %dma_wait3A_188] : memref<32x8x128xi32, #tpu.memory_space<hbm>> -> memref<1x8x128xi32, #tpu.memory_space<hbm>>
      %dma_wait3A_190 = tpu.memref_squeeze %dma_wait3A_189 : memref<1x8x128xi32, #tpu.memory_space<hbm>> -> memref<8x128xi32, #tpu.memory_space<hbm>>
      tpu.wait_dma2 semaphore(%run_scoped3A : memref<!tpu.dma_semaphore, #tpu.memory_space<semaphore_mem>>) src(%dma_wait3A_190 : memref<8x128xi32, #tpu.memory_space<hbm>>) dst(%arg5 : memref<8x128xi32, #tpu.memory_space<vmem>>)
      tpu.yield
    }) : () -> ()
    %dma_start3A = arith.constant 0 : i32
    %dma_start3A_1 = arith.constant 0 : i32
    %dma_start3A_2 = arith.constant 0 : i32
    %dma_start3A_3 = tpu.memref_slice %arg6[%dma_start3A_1, %dma_start3A_2] : memref<256x128xf32, #tpu.memory_space<vmem>> -> memref<128x128xf32, #tpu.memory_space<vmem>>
    %dma_start3A_4 = arith.constant 0 : i32
    %dma_start3A_5 = tpu.memref_slice %arg5[%dma_start3A, %dma_start3A_4] : memref<8x128xi32, #tpu.memory_space<vmem>> -> memref<1x128xi32, #tpu.memory_space<vmem>>
    %dma_start3A_6 = tpu.memref_squeeze %dma_start3A_5 : memref<1x128xi32, #tpu.memory_space<vmem>> -> memref<128xi32, #tpu.memory_space<vmem>>
    %dma_start3A_7 = arith.constant 0 : i32
    %dma_start3A_8 = arith.constant 0 : i32
    %dma_start3A_9 = tpu.memref_slice %arg2[%dma_start3A_7, %dma_start3A_8] : memref<50000x128xf32, #tpu.memory_space<hbm>> -> memref<50000x128xf32, #tpu.memory_space<hbm>>
    tpu.enqueue_indirect_dma source(%dma_start3A_9 : memref<50000x128xf32, #tpu.memory_space<hbm>>) target(%dma_start3A_3 : memref<128x128xf32, #tpu.memory_space<vmem>>) offsets(%dma_start3A_6 : memref<128xi32, #tpu.memory_space<vmem>>) semaphore(%arg8 : memref<!tpu.dma_semaphore, #tpu.memory_space<semaphore_mem>>)
    %dma_start3A_10 = arith.constant 1 : i32
    %dma_start3A_11 = arith.constant 128 : i32
    %dma_start3A_12 = arith.constant 0 : i32
    %dma_start3A_13 = tpu.memref_slice %arg6[%dma_start3A_11, %dma_start3A_12] : memref<256x128xf32, #tpu.memory_space<vmem>> -> memref<128x128xf32, #tpu.memory_space<vmem>>
    %dma_start3A_14 = arith.constant 0 : i32
    %dma_start3A_15 = tpu.memref_slice %arg5[%dma_start3A_10, %dma_start3A_14] : memref<8x128xi32, #tpu.memory_space<vmem>> -> memref<1x128xi32, #tpu.memory_space<vmem>>
    %dma_start3A_16 = tpu.memref_squeeze %dma_start3A_15 : memref<1x128xi32, #tpu.memory_space<vmem>> -> memref<128xi32, #tpu.memory_space<vmem>>
    %dma_start3A_17 = arith.constant 0 : i32
    %dma_start3A_18 = arith.constant 0 : i32
    %dma_start3A_19 = tpu.memref_slice %arg2[%dma_start3A_17, %dma_start3A_18] : memref<50000x128xf32, #tpu.memory_space<hbm>> -> memref<50000x128xf32, #tpu.memory_space<hbm>>
    tpu.enqueue_indirect_dma source(%dma_start3A_19 : memref<50000x128xf32, #tpu.memory_space<hbm>>) target(%dma_start3A_13 : memref<128x128xf32, #tpu.memory_space<vmem>>) offsets(%dma_start3A_16 : memref<128xi32, #tpu.memory_space<vmem>>) semaphore(%arg8 : memref<!tpu.dma_semaphore, #tpu.memory_space<semaphore_mem>>)
    %dma_start3A_20 = arith.constant 2 : i32
    %dma_start3A_21 = arith.constant 0 : i32
    %dma_start3A_22 = arith.constant 0 : i32
    %dma_start3A_23 = tpu.memref_slice %arg7[%dma_start3A_21, %dma_start3A_22] : memref<256x128xf32, #tpu.memory_space<vmem>> -> memref<128x128xf32, #tpu.memory_space<vmem>>
    %dma_start3A_24 = arith.constant 0 : i32
    %dma_start3A_25 = tpu.memref_slice %arg5[%dma_start3A_20, %dma_start3A_24] : memref<8x128xi32, #tpu.memory_space<vmem>> -> memref<1x128xi32, #tpu.memory_space<vmem>>
    %dma_start3A_26 = tpu.memref_squeeze %dma_start3A_25 : memref<1x128xi32, #tpu.memory_space<vmem>> -> memref<128xi32, #tpu.memory_space<vmem>>
    %dma_start3A_27 = arith.constant 0 : i32
    %dma_start3A_28 = arith.constant 0 : i32
    %dma_start3A_29 = tpu.memref_slice %arg2[%dma_start3A_27, %dma_start3A_28] : memref<50000x128xf32, #tpu.memory_space<hbm>> -> memref<50000x128xf32, #tpu.memory_space<hbm>>
    tpu.enqueue_indirect_dma source(%dma_start3A_29 : memref<50000x128xf32, #tpu.memory_space<hbm>>) target(%dma_start3A_23 : memref<128x128xf32, #tpu.memory_space<vmem>>) offsets(%dma_start3A_26 : memref<128xi32, #tpu.memory_space<vmem>>) semaphore(%arg9 : memref<!tpu.dma_semaphore, #tpu.memory_space<semaphore_mem>>)
    %dma_start3A_30 = arith.constant 3 : i32
    %dma_start3A_31 = arith.constant 128 : i32
    %dma_start3A_32 = arith.constant 0 : i32
    %dma_start3A_33 = tpu.memref_slice %arg7[%dma_start3A_31, %dma_start3A_32] : memref<256x128xf32, #tpu.memory_space<vmem>> -> memref<128x128xf32, #tpu.memory_space<vmem>>
    %dma_start3A_34 = arith.constant 0 : i32
    %dma_start3A_35 = tpu.memref_slice %arg5[%dma_start3A_30, %dma_start3A_34] : memref<8x128xi32, #tpu.memory_space<vmem>> -> memref<1x128xi32, #tpu.memory_space<vmem>>
    %dma_start3A_36 = tpu.memref_squeeze %dma_start3A_35 : memref<1x128xi32, #tpu.memory_space<vmem>> -> memref<128xi32, #tpu.memory_space<vmem>>
    %dma_start3A_37 = arith.constant 0 : i32
    %dma_start3A_38 = arith.constant 0 : i32
    %dma_start3A_39 = tpu.memref_slice %arg2[%dma_start3A_37, %dma_start3A_38] : memref<50000x128xf32, #tpu.memory_space<hbm>> -> memref<50000x128xf32, #tpu.memory_space<hbm>>
    tpu.enqueue_indirect_dma source(%dma_start3A_39 : memref<50000x128xf32, #tpu.memory_space<hbm>>) target(%dma_start3A_33 : memref<128x128xf32, #tpu.memory_space<vmem>>) offsets(%dma_start3A_36 : memref<128xi32, #tpu.memory_space<vmem>>) semaphore(%arg9 : memref<!tpu.dma_semaphore, #tpu.memory_space<semaphore_mem>>)
    %dma_wait3A = arith.constant 0 : i32
    %dma_wait3A_40 = arith.constant 0 : i32
    %dma_wait3A_41 = arith.constant 0 : i32
    %dma_wait3A_42 = tpu.memref_slice %arg6[%dma_wait3A_40, %dma_wait3A_41] : memref<256x128xf32, #tpu.memory_space<vmem>> -> memref<128x128xf32, #tpu.memory_space<vmem>>
    %dma_wait3A_43 = arith.constant 0 : i32
    %dma_wait3A_44 = tpu.memref_slice %arg5[%dma_wait3A, %dma_wait3A_43] : memref<8x128xi32, #tpu.memory_space<vmem>> -> memref<1x128xi32, #tpu.memory_space<vmem>>
    %dma_wait3A_45 = tpu.memref_squeeze %dma_wait3A_44 : memref<1x128xi32, #tpu.memory_space<vmem>> -> memref<128xi32, #tpu.memory_space<vmem>>
    %dma_wait3A_46 = arith.constant 0 : i32
    %dma_wait3A_47 = arith.constant 0 : i32
    %dma_wait3A_48 = tpu.memref_slice %arg2[%dma_wait3A_46, %dma_wait3A_47] : memref<50000x128xf32, #tpu.memory_space<hbm>> -> memref<50000x128xf32, #tpu.memory_space<hbm>>
    tpu.wait_indirect_dma semaphore(%arg8 : memref<!tpu.dma_semaphore, #tpu.memory_space<semaphore_mem>>) src(%dma_wait3A_48 : memref<50000x128xf32, #tpu.memory_space<hbm>>) dst(%dma_wait3A_42 : memref<128x128xf32, #tpu.memory_space<vmem>>)
    %dma_wait3A_49 = arith.constant 1 : i32
    %dma_wait3A_50 = arith.constant 128 : i32
    %dma_wait3A_51 = arith.constant 0 : i32
    %dma_wait3A_52 = tpu.memref_slice %arg6[%dma_wait3A_50, %dma_wait3A_51] : memref<256x128xf32, #tpu.memory_space<vmem>> -> memref<128x128xf32, #tpu.memory_space<vmem>>
    %dma_wait3A_53 = arith.constant 0 : i32
    %dma_wait3A_54 = tpu.memref_slice %arg5[%dma_wait3A_49, %dma_wait3A_53] : memref<8x128xi32, #tpu.memory_space<vmem>> -> memref<1x128xi32, #tpu.memory_space<vmem>>
    %dma_wait3A_55 = tpu.memref_squeeze %dma_wait3A_54 : memref<1x128xi32, #tpu.memory_space<vmem>> -> memref<128xi32, #tpu.memory_space<vmem>>
    %dma_wait3A_56 = arith.constant 0 : i32
    %dma_wait3A_57 = arith.constant 0 : i32
    %dma_wait3A_58 = tpu.memref_slice %arg2[%dma_wait3A_56, %dma_wait3A_57] : memref<50000x128xf32, #tpu.memory_space<hbm>> -> memref<50000x128xf32, #tpu.memory_space<hbm>>
    tpu.wait_indirect_dma semaphore(%arg8 : memref<!tpu.dma_semaphore, #tpu.memory_space<semaphore_mem>>) src(%dma_wait3A_58 : memref<50000x128xf32, #tpu.memory_space<hbm>>) dst(%dma_wait3A_52 : memref<128x128xf32, #tpu.memory_space<vmem>>)
    %mul3A_59 = arith.constant 1024 : i32
    %mul3A_60 = arith.muli %add3A, %mul3A_59 : i32
    %add3A_61 = arith.constant 0 : i32
    %add3A_62 = arith.addi %mul3A_60, %add3A_61 : i32
    "tpu.region"() ({
      %run_scoped3A = tpu.sem_alloc : memref<!tpu.dma_semaphore, #tpu.memory_space<semaphore_mem>>
      %dma_start3A_175 = arith.constant 0 : i32
      %dma_start3A_176 = tpu.memref_slice %arg4[%add3A_62, %dma_start3A_175] : memref<32768x128xf32, #tpu.memory_space<hbm>> -> memref<256x128xf32, #tpu.memory_space<hbm>>
      %dma_start3A_177 = arith.constant 0 : i32
      %dma_start3A_178 = tpu.memref_slice %arg4[%add3A_62, %dma_start3A_177] : memref<32768x128xf32, #tpu.memory_space<hbm>> -> memref<256x128xf32, #tpu.memory_space<hbm>>
      tpu.enqueue_dma source(%arg6 : memref<256x128xf32, #tpu.memory_space<vmem>>) target(%dma_start3A_178 : memref<256x128xf32, #tpu.memory_space<hbm>>) target_semaphore(%run_scoped3A : memref<!tpu.dma_semaphore, #tpu.memory_space<semaphore_mem>>)
      %dma_wait3A_179 = arith.constant 0 : i32
      %dma_wait3A_180 = tpu.memref_slice %arg4[%add3A_62, %dma_wait3A_179] : memref<32768x128xf32, #tpu.memory_space<hbm>> -> memref<256x128xf32, #tpu.memory_space<hbm>>
      %dma_wait3A_181 = arith.constant 0 : i32
      %dma_wait3A_182 = tpu.memref_slice %arg4[%add3A_62, %dma_wait3A_181] : memref<32768x128xf32, #tpu.memory_space<hbm>> -> memref<256x128xf32, #tpu.memory_space<hbm>>
      tpu.wait_dma2 semaphore(%run_scoped3A : memref<!tpu.dma_semaphore, #tpu.memory_space<semaphore_mem>>) src(%arg6 : memref<256x128xf32, #tpu.memory_space<vmem>>) dst(%dma_wait3A_182 : memref<256x128xf32, #tpu.memory_space<hbm>>)
      tpu.yield
    }) : () -> ()
    %dma_start3A_63 = arith.constant 4 : i32
    %dma_start3A_64 = arith.constant 0 : i32
    %dma_start3A_65 = arith.constant 0 : i32
    %dma_start3A_66 = tpu.memref_slice %arg6[%dma_start3A_64, %dma_start3A_65] : memref<256x128xf32, #tpu.memory_space<vmem>> -> memref<128x128xf32, #tpu.memory_space<vmem>>
    %dma_start3A_67 = arith.constant 0 : i32
    %dma_start3A_68 = tpu.memref_slice %arg5[%dma_start3A_63, %dma_start3A_67] : memref<8x128xi32, #tpu.memory_space<vmem>> -> memref<1x128xi32, #tpu.memory_space<vmem>>
    %dma_start3A_69 = tpu.memref_squeeze %dma_start3A_68 : memref<1x128xi32, #tpu.memory_space<vmem>> -> memref<128xi32, #tpu.memory_space<vmem>>
    %dma_start3A_70 = arith.constant 0 : i32
    %dma_start3A_71 = arith.constant 0 : i32
    %dma_start3A_72 = tpu.memref_slice %arg2[%dma_start3A_70, %dma_start3A_71] : memref<50000x128xf32, #tpu.memory_space<hbm>> -> memref<50000x128xf32, #tpu.memory_space<hbm>>
    tpu.enqueue_indirect_dma source(%dma_start3A_72 : memref<50000x128xf32, #tpu.memory_space<hbm>>) target(%dma_start3A_66 : memref<128x128xf32, #tpu.memory_space<vmem>>) offsets(%dma_start3A_69 : memref<128xi32, #tpu.memory_space<vmem>>) semaphore(%arg8 : memref<!tpu.dma_semaphore, #tpu.memory_space<semaphore_mem>>)
    %dma_start3A_73 = arith.constant 5 : i32
    %dma_start3A_74 = arith.constant 128 : i32
    %dma_start3A_75 = arith.constant 0 : i32
    %dma_start3A_76 = tpu.memref_slice %arg6[%dma_start3A_74, %dma_start3A_75] : memref<256x128xf32, #tpu.memory_space<vmem>> -> memref<128x128xf32, #tpu.memory_space<vmem>>
    %dma_start3A_77 = arith.constant 0 : i32
    %dma_start3A_78 = tpu.memref_slice %arg5[%dma_start3A_73, %dma_start3A_77] : memref<8x128xi32, #tpu.memory_space<vmem>> -> memref<1x128xi32, #tpu.memory_space<vmem>>
    %dma_start3A_79 = tpu.memref_squeeze %dma_start3A_78 : memref<1x128xi32, #tpu.memory_space<vmem>> -> memref<128xi32, #tpu.memory_space<vmem>>
    %dma_start3A_80 = arith.constant 0 : i32
    %dma_start3A_81 = arith.constant 0 : i32
    %dma_start3A_82 = tpu.memref_slice %arg2[%dma_start3A_80, %dma_start3A_81] : memref<50000x128xf32, #tpu.memory_space<hbm>> -> memref<50000x128xf32, #tpu.memory_space<hbm>>
    tpu.enqueue_indirect_dma source(%dma_start3A_82 : memref<50000x128xf32, #tpu.memory_space<hbm>>) target(%dma_start3A_76 : memref<128x128xf32, #tpu.memory_space<vmem>>) offsets(%dma_start3A_79 : memref<128xi32, #tpu.memory_space<vmem>>) semaphore(%arg8 : memref<!tpu.dma_semaphore, #tpu.memory_space<semaphore_mem>>)
    %dma_wait3A_83 = arith.constant 2 : i32
    %dma_wait3A_84 = arith.constant 0 : i32
    %dma_wait3A_85 = arith.constant 0 : i32
    %dma_wait3A_86 = tpu.memref_slice %arg7[%dma_wait3A_84, %dma_wait3A_85] : memref<256x128xf32, #tpu.memory_space<vmem>> -> memref<128x128xf32, #tpu.memory_space<vmem>>
    %dma_wait3A_87 = arith.constant 0 : i32
    %dma_wait3A_88 = tpu.memref_slice %arg5[%dma_wait3A_83, %dma_wait3A_87] : memref<8x128xi32, #tpu.memory_space<vmem>> -> memref<1x128xi32, #tpu.memory_space<vmem>>
    %dma_wait3A_89 = tpu.memref_squeeze %dma_wait3A_88 : memref<1x128xi32, #tpu.memory_space<vmem>> -> memref<128xi32, #tpu.memory_space<vmem>>
    %dma_wait3A_90 = arith.constant 0 : i32
    %dma_wait3A_91 = arith.constant 0 : i32
    %dma_wait3A_92 = tpu.memref_slice %arg2[%dma_wait3A_90, %dma_wait3A_91] : memref<50000x128xf32, #tpu.memory_space<hbm>> -> memref<50000x128xf32, #tpu.memory_space<hbm>>
    tpu.wait_indirect_dma semaphore(%arg9 : memref<!tpu.dma_semaphore, #tpu.memory_space<semaphore_mem>>) src(%dma_wait3A_92 : memref<50000x128xf32, #tpu.memory_space<hbm>>) dst(%dma_wait3A_86 : memref<128x128xf32, #tpu.memory_space<vmem>>)
    %dma_wait3A_93 = arith.constant 3 : i32
    %dma_wait3A_94 = arith.constant 128 : i32
    %dma_wait3A_95 = arith.constant 0 : i32
    %dma_wait3A_96 = tpu.memref_slice %arg7[%dma_wait3A_94, %dma_wait3A_95] : memref<256x128xf32, #tpu.memory_space<vmem>> -> memref<128x128xf32, #tpu.memory_space<vmem>>
    %dma_wait3A_97 = arith.constant 0 : i32
    %dma_wait3A_98 = tpu.memref_slice %arg5[%dma_wait3A_93, %dma_wait3A_97] : memref<8x128xi32, #tpu.memory_space<vmem>> -> memref<1x128xi32, #tpu.memory_space<vmem>>
    %dma_wait3A_99 = tpu.memref_squeeze %dma_wait3A_98 : memref<1x128xi32, #tpu.memory_space<vmem>> -> memref<128xi32, #tpu.memory_space<vmem>>
    %dma_wait3A_100 = arith.constant 0 : i32
    %dma_wait3A_101 = arith.constant 0 : i32
    %dma_wait3A_102 = tpu.memref_slice %arg2[%dma_wait3A_100, %dma_wait3A_101] : memref<50000x128xf32, #tpu.memory_space<hbm>> -> memref<50000x128xf32, #tpu.memory_space<hbm>>
    tpu.wait_indirect_dma semaphore(%arg9 : memref<!tpu.dma_semaphore, #tpu.memory_space<semaphore_mem>>) src(%dma_wait3A_102 : memref<50000x128xf32, #tpu.memory_space<hbm>>) dst(%dma_wait3A_96 : memref<128x128xf32, #tpu.memory_space<vmem>>)
    %mul3A_103 = arith.constant 1024 : i32
    %mul3A_104 = arith.muli %add3A, %mul3A_103 : i32
    %add3A_105 = arith.constant 256 : i32
    %add3A_106 = arith.addi %mul3A_104, %add3A_105 : i32
    "tpu.region"() ({
      %run_scoped3A = tpu.sem_alloc : memref<!tpu.dma_semaphore, #tpu.memory_space<semaphore_mem>>
      %dma_start3A_175 = arith.constant 0 : i32
      %dma_start3A_176 = tpu.memref_slice %arg4[%add3A_106, %dma_start3A_175] : memref<32768x128xf32, #tpu.memory_space<hbm>> -> memref<256x128xf32, #tpu.memory_space<hbm>>
      %dma_start3A_177 = arith.constant 0 : i32
      %dma_start3A_178 = tpu.memref_slice %arg4[%add3A_106, %dma_start3A_177] : memref<32768x128xf32, #tpu.memory_space<hbm>> -> memref<256x128xf32, #tpu.memory_space<hbm>>
      tpu.enqueue_dma source(%arg7 : memref<256x128xf32, #tpu.memory_space<vmem>>) target(%dma_start3A_178 : memref<256x128xf32, #tpu.memory_space<hbm>>) target_semaphore(%run_scoped3A : memref<!tpu.dma_semaphore, #tpu.memory_space<semaphore_mem>>)
      %dma_wait3A_179 = arith.constant 0 : i32
      %dma_wait3A_180 = tpu.memref_slice %arg4[%add3A_106, %dma_wait3A_179] : memref<32768x128xf32, #tpu.memory_space<hbm>> -> memref<256x128xf32, #tpu.memory_space<hbm>>
      %dma_wait3A_181 = arith.constant 0 : i32
      %dma_wait3A_182 = tpu.memref_slice %arg4[%add3A_106, %dma_wait3A_181] : memref<32768x128xf32, #tpu.memory_space<hbm>> -> memref<256x128xf32, #tpu.memory_space<hbm>>
      tpu.wait_dma2 semaphore(%run_scoped3A : memref<!tpu.dma_semaphore, #tpu.memory_space<semaphore_mem>>) src(%arg7 : memref<256x128xf32, #tpu.memory_space<vmem>>) dst(%dma_wait3A_182 : memref<256x128xf32, #tpu.memory_space<hbm>>)
      tpu.yield
    }) : () -> ()
    %dma_start3A_107 = arith.constant 6 : i32
    %dma_start3A_108 = arith.constant 0 : i32
    %dma_start3A_109 = arith.constant 0 : i32
    %dma_start3A_110 = tpu.memref_slice %arg7[%dma_start3A_108, %dma_start3A_109] : memref<256x128xf32, #tpu.memory_space<vmem>> -> memref<128x128xf32, #tpu.memory_space<vmem>>
    %dma_start3A_111 = arith.constant 0 : i32
    %dma_start3A_112 = tpu.memref_slice %arg5[%dma_start3A_107, %dma_start3A_111] : memref<8x128xi32, #tpu.memory_space<vmem>> -> memref<1x128xi32, #tpu.memory_space<vmem>>
    %dma_start3A_113 = tpu.memref_squeeze %dma_start3A_112 : memref<1x128xi32, #tpu.memory_space<vmem>> -> memref<128xi32, #tpu.memory_space<vmem>>
    %dma_start3A_114 = arith.constant 0 : i32
    %dma_start3A_115 = arith.constant 0 : i32
    %dma_start3A_116 = tpu.memref_slice %arg2[%dma_start3A_114, %dma_start3A_115] : memref<50000x128xf32, #tpu.memory_space<hbm>> -> memref<50000x128xf32, #tpu.memory_space<hbm>>
    tpu.enqueue_indirect_dma source(%dma_start3A_116 : memref<50000x128xf32, #tpu.memory_space<hbm>>) target(%dma_start3A_110 : memref<128x128xf32, #tpu.memory_space<vmem>>) offsets(%dma_start3A_113 : memref<128xi32, #tpu.memory_space<vmem>>) semaphore(%arg9 : memref<!tpu.dma_semaphore, #tpu.memory_space<semaphore_mem>>)
    %dma_start3A_117 = arith.constant 7 : i32
    %dma_start3A_118 = arith.constant 128 : i32
    %dma_start3A_119 = arith.constant 0 : i32
    %dma_start3A_120 = tpu.memref_slice %arg7[%dma_start3A_118, %dma_start3A_119] : memref<256x128xf32, #tpu.memory_space<vmem>> -> memref<128x128xf32, #tpu.memory_space<vmem>>
    %dma_start3A_121 = arith.constant 0 : i32
    %dma_start3A_122 = tpu.memref_slice %arg5[%dma_start3A_117, %dma_start3A_121] : memref<8x128xi32, #tpu.memory_space<vmem>> -> memref<1x128xi32, #tpu.memory_space<vmem>>
    %dma_start3A_123 = tpu.memref_squeeze %dma_start3A_122 : memref<1x128xi32, #tpu.memory_space<vmem>> -> memref<128xi32, #tpu.memory_space<vmem>>
    %dma_start3A_124 = arith.constant 0 : i32
    %dma_start3A_125 = arith.constant 0 : i32
    %dma_start3A_126 = tpu.memref_slice %arg2[%dma_start3A_124, %dma_start3A_125] : memref<50000x128xf32, #tpu.memory_space<hbm>> -> memref<50000x128xf32, #tpu.memory_space<hbm>>
    tpu.enqueue_indirect_dma source(%dma_start3A_126 : memref<50000x128xf32, #tpu.memory_space<hbm>>) target(%dma_start3A_120 : memref<128x128xf32, #tpu.memory_space<vmem>>) offsets(%dma_start3A_123 : memref<128xi32, #tpu.memory_space<vmem>>) semaphore(%arg9 : memref<!tpu.dma_semaphore, #tpu.memory_space<semaphore_mem>>)
    %dma_wait3A_127 = arith.constant 4 : i32
    %dma_wait3A_128 = arith.constant 0 : i32
    %dma_wait3A_129 = arith.constant 0 : i32
    %dma_wait3A_130 = tpu.memref_slice %arg6[%dma_wait3A_128, %dma_wait3A_129] : memref<256x128xf32, #tpu.memory_space<vmem>> -> memref<128x128xf32, #tpu.memory_space<vmem>>
    %dma_wait3A_131 = arith.constant 0 : i32
    %dma_wait3A_132 = tpu.memref_slice %arg5[%dma_wait3A_127, %dma_wait3A_131] : memref<8x128xi32, #tpu.memory_space<vmem>> -> memref<1x128xi32, #tpu.memory_space<vmem>>
    %dma_wait3A_133 = tpu.memref_squeeze %dma_wait3A_132 : memref<1x128xi32, #tpu.memory_space<vmem>> -> memref<128xi32, #tpu.memory_space<vmem>>
    %dma_wait3A_134 = arith.constant 0 : i32
    %dma_wait3A_135 = arith.constant 0 : i32
    %dma_wait3A_136 = tpu.memref_slice %arg2[%dma_wait3A_134, %dma_wait3A_135] : memref<50000x128xf32, #tpu.memory_space<hbm>> -> memref<50000x128xf32, #tpu.memory_space<hbm>>
    tpu.wait_indirect_dma semaphore(%arg8 : memref<!tpu.dma_semaphore, #tpu.memory_space<semaphore_mem>>) src(%dma_wait3A_136 : memref<50000x128xf32, #tpu.memory_space<hbm>>) dst(%dma_wait3A_130 : memref<128x128xf32, #tpu.memory_space<vmem>>)
    %dma_wait3A_137 = arith.constant 5 : i32
    %dma_wait3A_138 = arith.constant 128 : i32
    %dma_wait3A_139 = arith.constant 0 : i32
    %dma_wait3A_140 = tpu.memref_slice %arg6[%dma_wait3A_138, %dma_wait3A_139] : memref<256x128xf32, #tpu.memory_space<vmem>> -> memref<128x128xf32, #tpu.memory_space<vmem>>
    %dma_wait3A_141 = arith.constant 0 : i32
    %dma_wait3A_142 = tpu.memref_slice %arg5[%dma_wait3A_137, %dma_wait3A_141] : memref<8x128xi32, #tpu.memory_space<vmem>> -> memref<1x128xi32, #tpu.memory_space<vmem>>
    %dma_wait3A_143 = tpu.memref_squeeze %dma_wait3A_142 : memref<1x128xi32, #tpu.memory_space<vmem>> -> memref<128xi32, #tpu.memory_space<vmem>>
    %dma_wait3A_144 = arith.constant 0 : i32
    %dma_wait3A_145 = arith.constant 0 : i32
    %dma_wait3A_146 = tpu.memref_slice %arg2[%dma_wait3A_144, %dma_wait3A_145] : memref<50000x128xf32, #tpu.memory_space<hbm>> -> memref<50000x128xf32, #tpu.memory_space<hbm>>
    tpu.wait_indirect_dma semaphore(%arg8 : memref<!tpu.dma_semaphore, #tpu.memory_space<semaphore_mem>>) src(%dma_wait3A_146 : memref<50000x128xf32, #tpu.memory_space<hbm>>) dst(%dma_wait3A_140 : memref<128x128xf32, #tpu.memory_space<vmem>>)
    %mul3A_147 = arith.constant 1024 : i32
    %mul3A_148 = arith.muli %add3A, %mul3A_147 : i32
    %add3A_149 = arith.constant 512 : i32
    %add3A_150 = arith.addi %mul3A_148, %add3A_149 : i32
    "tpu.region"() ({
      %run_scoped3A = tpu.sem_alloc : memref<!tpu.dma_semaphore, #tpu.memory_space<semaphore_mem>>
      %dma_start3A_175 = arith.constant 0 : i32
      %dma_start3A_176 = tpu.memref_slice %arg4[%add3A_150, %dma_start3A_175] : memref<32768x128xf32, #tpu.memory_space<hbm>> -> memref<256x128xf32, #tpu.memory_space<hbm>>
      %dma_start3A_177 = arith.constant 0 : i32
      %dma_start3A_178 = tpu.memref_slice %arg4[%add3A_150, %dma_start3A_177] : memref<32768x128xf32, #tpu.memory_space<hbm>> -> memref<256x128xf32, #tpu.memory_space<hbm>>
      tpu.enqueue_dma source(%arg6 : memref<256x128xf32, #tpu.memory_space<vmem>>) target(%dma_start3A_178 : memref<256x128xf32, #tpu.memory_space<hbm>>) target_semaphore(%run_scoped3A : memref<!tpu.dma_semaphore, #tpu.memory_space<semaphore_mem>>)
      %dma_wait3A_179 = arith.constant 0 : i32
      %dma_wait3A_180 = tpu.memref_slice %arg4[%add3A_150, %dma_wait3A_179] : memref<32768x128xf32, #tpu.memory_space<hbm>> -> memref<256x128xf32, #tpu.memory_space<hbm>>
      %dma_wait3A_181 = arith.constant 0 : i32
      %dma_wait3A_182 = tpu.memref_slice %arg4[%add3A_150, %dma_wait3A_181] : memref<32768x128xf32, #tpu.memory_space<hbm>> -> memref<256x128xf32, #tpu.memory_space<hbm>>
      tpu.wait_dma2 semaphore(%run_scoped3A : memref<!tpu.dma_semaphore, #tpu.memory_space<semaphore_mem>>) src(%arg6 : memref<256x128xf32, #tpu.memory_space<vmem>>) dst(%dma_wait3A_182 : memref<256x128xf32, #tpu.memory_space<hbm>>)
      tpu.yield
    }) : () -> ()
    %dma_wait3A_151 = arith.constant 6 : i32
    %dma_wait3A_152 = arith.constant 0 : i32
    %dma_wait3A_153 = arith.constant 0 : i32
    %dma_wait3A_154 = tpu.memref_slice %arg7[%dma_wait3A_152, %dma_wait3A_153] : memref<256x128xf32, #tpu.memory_space<vmem>> -> memref<128x128xf32, #tpu.memory_space<vmem>>
    %dma_wait3A_155 = arith.constant 0 : i32
    %dma_wait3A_156 = tpu.memref_slice %arg5[%dma_wait3A_151, %dma_wait3A_155] : memref<8x128xi32, #tpu.memory_space<vmem>> -> memref<1x128xi32, #tpu.memory_space<vmem>>
    %dma_wait3A_157 = tpu.memref_squeeze %dma_wait3A_156 : memref<1x128xi32, #tpu.memory_space<vmem>> -> memref<128xi32, #tpu.memory_space<vmem>>
    %dma_wait3A_158 = arith.constant 0 : i32
    %dma_wait3A_159 = arith.constant 0 : i32
    %dma_wait3A_160 = tpu.memref_slice %arg2[%dma_wait3A_158, %dma_wait3A_159] : memref<50000x128xf32, #tpu.memory_space<hbm>> -> memref<50000x128xf32, #tpu.memory_space<hbm>>
    tpu.wait_indirect_dma semaphore(%arg9 : memref<!tpu.dma_semaphore, #tpu.memory_space<semaphore_mem>>) src(%dma_wait3A_160 : memref<50000x128xf32, #tpu.memory_space<hbm>>) dst(%dma_wait3A_154 : memref<128x128xf32, #tpu.memory_space<vmem>>)
    %dma_wait3A_161 = arith.constant 7 : i32
    %dma_wait3A_162 = arith.constant 128 : i32
    %dma_wait3A_163 = arith.constant 0 : i32
    %dma_wait3A_164 = tpu.memref_slice %arg7[%dma_wait3A_162, %dma_wait3A_163] : memref<256x128xf32, #tpu.memory_space<vmem>> -> memref<128x128xf32, #tpu.memory_space<vmem>>
    %dma_wait3A_165 = arith.constant 0 : i32
    %dma_wait3A_166 = tpu.memref_slice %arg5[%dma_wait3A_161, %dma_wait3A_165] : memref<8x128xi32, #tpu.memory_space<vmem>> -> memref<1x128xi32, #tpu.memory_space<vmem>>
    %dma_wait3A_167 = tpu.memref_squeeze %dma_wait3A_166 : memref<1x128xi32, #tpu.memory_space<vmem>> -> memref<128xi32, #tpu.memory_space<vmem>>
    %dma_wait3A_168 = arith.constant 0 : i32
    %dma_wait3A_169 = arith.constant 0 : i32
    %dma_wait3A_170 = tpu.memref_slice %arg2[%dma_wait3A_168, %dma_wait3A_169] : memref<50000x128xf32, #tpu.memory_space<hbm>> -> memref<50000x128xf32, #tpu.memory_space<hbm>>
    tpu.wait_indirect_dma semaphore(%arg9 : memref<!tpu.dma_semaphore, #tpu.memory_space<semaphore_mem>>) src(%dma_wait3A_170 : memref<50000x128xf32, #tpu.memory_space<hbm>>) dst(%dma_wait3A_164 : memref<128x128xf32, #tpu.memory_space<vmem>>)
    %mul3A_171 = arith.constant 1024 : i32
    %mul3A_172 = arith.muli %add3A, %mul3A_171 : i32
    %add3A_173 = arith.constant 768 : i32
    %add3A_174 = arith.addi %mul3A_172, %add3A_173 : i32
    "tpu.region"() ({
      %run_scoped3A = tpu.sem_alloc : memref<!tpu.dma_semaphore, #tpu.memory_space<semaphore_mem>>
      %dma_start3A_175 = arith.constant 0 : i32
      %dma_start3A_176 = tpu.memref_slice %arg4[%add3A_174, %dma_start3A_175] : memref<32768x128xf32, #tpu.memory_space<hbm>> -> memref<256x128xf32, #tpu.memory_space<hbm>>
      %dma_start3A_177 = arith.constant 0 : i32
      %dma_start3A_178 = tpu.memref_slice %arg4[%add3A_174, %dma_start3A_177] : memref<32768x128xf32, #tpu.memory_space<hbm>> -> memref<256x128xf32, #tpu.memory_space<hbm>>
      tpu.enqueue_dma source(%arg7 : memref<256x128xf32, #tpu.memory_space<vmem>>) target(%dma_start3A_178 : memref<256x128xf32, #tpu.memory_space<hbm>>) target_semaphore(%run_scoped3A : memref<!tpu.dma_semaphore, #tpu.memory_space<semaphore_mem>>)
      %dma_wait3A_179 = arith.constant 0 : i32
      %dma_wait3A_180 = tpu.memref_slice %arg4[%add3A_174, %dma_wait3A_179] : memref<32768x128xf32, #tpu.memory_space<hbm>> -> memref<256x128xf32, #tpu.memory_space<hbm>>
      %dma_wait3A_181 = arith.constant 0 : i32
      %dma_wait3A_182 = tpu.memref_slice %arg4[%add3A_174, %dma_wait3A_181] : memref<32768x128xf32, #tpu.memory_space<hbm>> -> memref<256x128xf32, #tpu.memory_space<hbm>>
      tpu.wait_dma2 semaphore(%run_scoped3A : memref<!tpu.dma_semaphore, #tpu.memory_space<semaphore_mem>>) src(%arg7 : memref<256x128xf32, #tpu.memory_space<vmem>>) dst(%dma_wait3A_182 : memref<256x128xf32, #tpu.memory_space<hbm>>)
      tpu.yield
    }) : () -> ()
    return
  }
}

module attributes {stable_mosaic.version = 14 : i64} {
  func.func @body(%arg0: i32, %arg1: memref<1x4096x128xf32, #tpu.memory_space<vmem>>, %arg2: memref<1x32x1xi32, #tpu.memory_space<vmem>>, %arg3: memref<1x32x1xi32, #tpu.memory_space<vmem>>, %arg4: memref<1x1x4096xi32, #tpu.memory_space<vmem>>, %arg5: memref<1x64xf32, #tpu.memory_space<vmem>>, %arg6: memref<1x32x64xf32, #tpu.memory_space<vmem>>) attributes {dimension_semantics = [#tpu.dimension_semantics<arbitrary>], iteration_bounds = array<i64: 8>, scalar_prefetch = 0 : i64, scratch_operands = 0 : i64, tpu.core_type = #tpu.core_type<tc>, window_params = [{transform_indices = @transform_0, window_bounds = array<i64: 1, 4096, 128>}, {transform_indices = @transform_1, window_bounds = array<i64: 1, 32, 1>}, {transform_indices = @transform_2, window_bounds = array<i64: 1, 32, 1>}, {transform_indices = @transform_3, window_bounds = array<i64: 1, 1, 4096>}, {pipeline_mode = #tpu.pipeline_mode<synchronous>, transform_indices = @transform_4, window_bounds = array<i64: 1, 64>}, {transform_indices = @transform_5, window_bounds = array<i64: 1, 32, 64>}]} {
    %iota3A = tpu.iota {dimensions = array<i32: 1>} : vector<32x4096xi32>
    %get3A = arith.constant 0 : index
    %get3A_0 = arith.constant 0 : index
    %get3A_1 = arith.constant 0 : index
    %get3A_2 = vector.load %arg2[%get3A, %get3A_0, %get3A_1] : memref<1x32x1xi32, #tpu.memory_space<vmem>>, vector<1x32x1xi32>
    %get3A_3 = vector.shape_cast %get3A_2 : vector<1x32x1xi32> to vector<32x1xi32>
    %ge3A = vector.broadcast %get3A_3 : vector<32x1xi32> to vector<32x4096xi32>
    %ge3A_4 = arith.cmpi sge, %iota3A, %ge3A : vector<32x4096xi32>
    %get3A_5 = arith.constant 0 : index
    %get3A_6 = arith.constant 0 : index
    %get3A_7 = arith.constant 0 : index
    %get3A_8 = vector.load %arg3[%get3A_5, %get3A_6, %get3A_7] : memref<1x32x1xi32, #tpu.memory_space<vmem>>, vector<1x32x1xi32>
    %get3A_9 = vector.shape_cast %get3A_8 : vector<1x32x1xi32> to vector<32x1xi32>
    %lt3A = vector.broadcast %get3A_9 : vector<32x1xi32> to vector<32x4096xi32>
    %lt3A_10 = arith.cmpi slt, %iota3A, %lt3A : vector<32x4096xi32>
    %and3A = arith.andi %ge3A_4, %lt3A_10 : vector<32x4096xi1>
    %get3A_11 = arith.constant 0 : index
    %get3A_12 = arith.constant 0 : index
    %get3A_13 = arith.constant 0 : index
    %get3A_14 = vector.load %arg4[%get3A_11, %get3A_12, %get3A_13] : memref<1x1x4096xi32, #tpu.memory_space<vmem>>, vector<1x1x4096xi32>
    %get3A_15 = vector.shape_cast %get3A_14 : vector<1x1x4096xi32> to vector<1x4096xi32>
    %and3A_16 = arith.constant 1 : i32
    %and3A_17 = vector.broadcast %and3A_16 : i32 to vector<1x4096xi32>
    %and3A_18 = arith.andi %get3A_15, %and3A_17 : vector<1x4096xi32>
    %eq3A = arith.constant 1 : i32
    %eq3A_19 = vector.broadcast %eq3A : i32 to vector<1x4096xi32>
    %eq3A_20 = arith.cmpi eq, %and3A_18, %eq3A_19 : vector<1x4096xi32>
    %not3A = arith.constant dense<true> : vector<1x4096xi1>
    %not3A_21 = arith.xori %eq3A_20, %not3A : vector<1x4096xi1>
    %and3A_22 = vector.broadcast %not3A_21 : vector<1x4096xi1> to vector<32x4096xi1>
    %and3A_23 = arith.andi %and3A, %and3A_22 : vector<32x4096xi1>
    %convert_element_type3A = arith.extui %and3A_23 : vector<32x4096xi1> to vector<32x4096xi32>
    %convert_element_type3A_24 = arith.sitofp %convert_element_type3A : vector<32x4096xi32> to vector<32x4096xf32>
    %and3A_25 = vector.broadcast %eq3A_20 : vector<1x4096xi1> to vector<32x4096xi1>
    %and3A_26 = arith.andi %and3A, %and3A_25 : vector<32x4096xi1>
    %convert_element_type3A_27 = arith.extui %and3A_26 : vector<32x4096xi1> to vector<32x4096xi32>
    %convert_element_type3A_28 = arith.sitofp %convert_element_type3A_27 : vector<32x4096xi32> to vector<32x4096xf32>
    %get3A_29 = arith.constant 0 : index
    %get3A_30 = arith.constant 0 : index
    %get3A_31 = arith.constant 0 : index
    %get3A_32 = vector.load %arg1[%get3A_29, %get3A_30, %get3A_31] : memref<1x4096x128xf32, #tpu.memory_space<vmem>>, vector<1x4096x128xf32>
    %get3A_33 = vector.shape_cast %get3A_32 : vector<1x4096x128xf32> to vector<4096x128xf32>
    %dot_general3A = arith.constant dense<0.000000e+00> : vector<32x128xf32>
    %dot_general3A_34 = tpu.matmul %convert_element_type3A_24, %get3A_33, %dot_general3A {dimension_numbers = #tpu.dot_dimension_numbers<[1], [0], [0], [1], [0, 0, 1, 1], [], []>, transpose_lhs_hint = false} : vector<32x4096xf32>, vector<4096x128xf32>, vector<32x128xf32> -> vector<32x128xf32>
    %dot_general3A_35 = arith.constant dense<0.000000e+00> : vector<32x128xf32>
    %dot_general3A_36 = tpu.matmul %convert_element_type3A_28, %get3A_33, %dot_general3A_35 {dimension_numbers = #tpu.dot_dimension_numbers<[1], [0], [0], [1], [0, 0, 1, 1], [], []>, transpose_lhs_hint = false} : vector<32x4096xf32>, vector<4096x128xf32>, vector<32x128xf32> -> vector<32x128xf32>
    %slice3A = vector.extract_strided_slice %dot_general3A_34 {offsets = [0, 0], sizes = [32, 64], strides = [1, 1]} : vector<32x128xf32> to vector<32x64xf32>
    %slice3A_37 = vector.extract_strided_slice %dot_general3A_36 {offsets = [0, 64], sizes = [32, 64], strides = [1, 1]} : vector<32x128xf32> to vector<32x64xf32>
    %add3A = arith.addf %slice3A, %slice3A_37 : vector<32x64xf32>
    %get3A_38 = arith.constant 0 : index
    %get3A_39 = arith.constant 0 : index
    %get3A_40 = vector.load %arg5[%get3A_38, %get3A_39] : memref<1x64xf32, #tpu.memory_space<vmem>>, vector<1x64xf32>
    %add3A_41 = vector.broadcast %get3A_40 : vector<1x64xf32> to vector<32x64xf32>
    %add3A_42 = arith.addf %add3A, %add3A_41 : vector<32x64xf32>
    %swap3A = arith.constant 0 : index
    %swap3A_43 = arith.constant 0 : index
    %swap3A_44 = arith.constant 0 : index
    %swap3A_45 = vector.load %arg6[%swap3A, %swap3A_43, %swap3A_44] : memref<1x32x64xf32, #tpu.memory_space<vmem>>, vector<1x32x64xf32>
    %swap3A_46 = vector.shape_cast %swap3A_45 : vector<1x32x64xf32> to vector<32x64xf32>
    %swap3A_47 = vector.shape_cast %add3A_42 : vector<32x64xf32> to vector<1x32x64xf32>
    tpu.vector_store %arg6[%swap3A, %swap3A_43, %swap3A_44], %swap3A_47 {strides = array<i32>} : memref<1x32x64xf32, #tpu.memory_space<vmem>>, vector<1x32x64xf32>,
    return
  }
  func.func @transform_0(%arg0: i32) -> (i32, i32, i32) {
    %c0_i32 = arith.constant 0 : i32
    %c0_i32_0 = arith.constant 0 : i32
    %c0_i32_1 = arith.constant 0 : i32
    return %arg0, %c0_i32, %c0_i32_0 : i32, i32, i32
  }
  func.func @transform_1(%arg0: i32) -> (i32, i32, i32) {
    %c0_i32 = arith.constant 0 : i32
    %c0_i32_0 = arith.constant 0 : i32
    %c0_i32_1 = arith.constant 0 : i32
    return %arg0, %c0_i32, %c0_i32_0 : i32, i32, i32
  }
  func.func @transform_2(%arg0: i32) -> (i32, i32, i32) {
    %c0_i32 = arith.constant 0 : i32
    %c0_i32_0 = arith.constant 0 : i32
    %c0_i32_1 = arith.constant 0 : i32
    return %arg0, %c0_i32, %c0_i32_0 : i32, i32, i32
  }
  func.func @transform_3(%arg0: i32) -> (i32, i32, i32) {
    %c0_i32 = arith.constant 0 : i32
    %c0_i32_0 = arith.constant 0 : i32
    %c0_i32_1 = arith.constant 0 : i32
    return %arg0, %c0_i32, %c0_i32_0 : i32, i32, i32
  }
  func.func @transform_4(%arg0: i32) -> (i32, i32) {
    %c0_i32 = arith.constant 0 : i32
    %c0_i32_0 = arith.constant 0 : i32
    %c0_i32_1 = arith.constant 0 : i32
    return %c0_i32, %c0_i32_0 : i32, i32
  }
  func.func @transform_5(%arg0: i32) -> (i32, i32, i32) {
    %c0_i32 = arith.constant 0 : i32
    %c0_i32_0 = arith.constant 0 : i32
    %c0_i32_1 = arith.constant 0 : i32
    return %arg0, %c0_i32, %c0_i32_0 : i32, i32, i32
  }
}

</mosaic_0001>

<sc_bundles>
// kernel: kernel.4.cloned.1.call-start
scs
__scs_entry_jumppad:
0x0: {  	(pc) =	sbr.rel $0x88, $3  }
0x1: {  	(tag) =	ssettag $0x0;
	lr =	simm.s32 $0x1  }
0x2: {  	[smem:$0x3F9D] =	sst lr;
	_ =	strace $0xD0000000  }
0x3: {  	_ = 	snop  }
0x4: {  	_ = 	snop  }
0x5: {  	_ = 	snop  }
0x6: {  	_ = 	snop  }
0x7: {  	_ = 	snop  }
__scs_overlays_trampoline_lowered:
0x8: {  	[smem:$0x3FAC] =	sst s0  }
0x9: {  	[smem:$0x3FAD] =	sst s1  }
0xa: {  	[smem:$0x3FAE] =	sst s2  }
0xb: {  	[smem:$0x3FAF] =	sst s3  }
0xc: {  	[smem:$0x3FB0] =	sst s4  }
0xd: {  	[smem:$0x3FB1] =	sst s5  }
0xe: {  	[smem:$0x3FB2] =	sst s6  }
0xf: {  	[smem:$0x3FB3] =	sst s7  }
0x10: {  	[smem:$0x3FB4] =	sst s8  }
0x11: {  	[smem:$0x3FB5] =	sst s9;
	s0 =	simm.s32 @!p0 $0x0  }
0x12: {  	s1 =	sld [smem:$0x3F9B];
	s0 =	simm.s32 @p0 $0x1  }
0x13: {  	[smem:$0x3FB6] =	sst s0;
	s0 =	simm.s32 @!p1 $0x0  }
0x14: {  	s2 =	sld [smem:$0x3F9A];
	s0 =	simm.s32 @p1 $0x1  }
0x15: {  	[smem:$0x3FB7] =	sst s0;
	s0 =	simm.s32 @!p2 $0x0  }
0x16: {  	s3 =	sld [smem:$0x3FDB];
	s0 =	simm.s32 @p2 $0x1  }
0x17: {  	s4 =	simm.s32 $0x1BF5;
	[smem:$0x3FB9] =	sst s0  }
0x18: {  	s0 =	sld [smem:$0x3F9C];
	_ =	swait.ge [sflag:s4], $0x0  }
0x19: {  	s7 =	sld [smem:$0x3F9D]  }
0x1a: {  	s8 =	sadd.s32 $0xFFFFE003, lr  }
0x1b: {  	s9 =	sadd.s32 $0xFFFFFEF7, lr;
	s5 =	simm.s32 $0xFFFFFFFF;
	p2 =	slt.u32 s8, $0xFFFFF086  }
0x1c: {  	p1 =	slt.u32 s9, $0xF7A;
	s5 =	simm.s32 @!p2 $0x0  }
0x1d: {  	s5 =	simm.s32 @p1 $0x1;
	p0 =	seq.s32 s7, s2  }
0x1e: {  	s7 =	smul.u32 @!p0 $0xF7A, s2;
	p2 =	seq.s32 @!p0 s5, $0x0  }
0x1f: {  	s9 =	smul.u32 $0xF7A, s1;
	s8 =	simm.s32 @!p0 $0x1BF5;
	p2 =	por !p2, p0  }
0x20: {  	[sflag:s8] =	ssyncset.s32 @!p0 $0xFFFFF086;
	s6 =	sadd.s32 @!p0 s3, s7;
	s7 =	simm.s32 @!p0 $0x108  }
0x21: {  	s3 =	sadd.s32 s3, s9;
	s6 =	sadd.s32 @!p0 $0x88, s6;
	s7 =	simm.s32 @p2 $0x1082  }
0x22: {  	[simem:s7], [sflag:s8] =	dma.local @!p0 [hbm:s6], $0xF7A  }
0x23: {  	s9 =	sor.u32 $0xD0000000, s2;
	s6 =	simm.s32 $0x108;
	_ =	swait.ge @!p0 [sflag:s8], $0x0  }
0x24: {  	s3 =	sadd.s32 $0x88, s3;
	s6 =	simm.s32 @!p1 $0x1082;
	[sflag:s4] =	ssyncset.s32 $0xFFFFF086  }
0x25: {  	[simem:s6], [sflag:s4] =	dma.local [hbm:s3], $0xF7A  }
0x26: {  	[smem:$0x3F9D] =	sst s1;
	(tag) =	ssettag s2;
	_ =	strace s9  }
0x27: {  	s1 =	sld [smem:$0x3FAD]  }
0x28: {  	s2 =	sld [smem:$0x3FAE]  }
0x29: {  	s4 =	sld [smem:$0x3FB0]  }
0x2a: {  	p0 =	seq.s32 s5, $0x0;
	s5 =	sld [smem:$0x3FB1]  }
0x2b: {  	s6 =	sld [smem:$0x3FB2]  }
0x2c: {  	s7 =	sld [smem:$0x3FB3]  }
0x2d: {  	s3 =	simm.s32 $0x108;
	s8 =	sld [smem:$0x3FB4]  }
0x2e: {  	s3 =	simm.s32 @!p0 $0x1082;
	s9 =	sld [smem:$0x3FB5]  }
0x2f: {  	lr =	sadd.s32 s0, s3;
	s0 =	sld [smem:$0x3FAC]  }
0x30: {  	s3 =	sld [smem:$0x3FAF]  }
0x31: {  	[smem:$0x3FB8] =	sst s10  }
0x32: {  	s10 =	sld [smem:$0x3FB6];
	_ =	sdelay $0x3  }
0x33: {  	p0 =	seq.s32 s10, $0x1;
	s10 =	sld [smem:$0x3FB8];
	_ =	sdelay $0x3  }
0x34: {  	[smem:$0x3FB8] =	sst s10  }
0x35: {  	s10 =	sld [smem:$0x3FB7];
	_ =	sdelay $0x3  }
0x36: {  	p1 =	seq.s32 s10, $0x1;
	s10 =	sld [smem:$0x3FB8];
	_ =	sdelay $0x3  }
0x37: {  	[smem:$0x3FB8] =	sst s10  }
0x38: {  	s10 =	sld [smem:$0x3FB9]  }
0x39: {  	_ = 	snop;
	(pc) =	sbr.ind lr, $3  }
0x3a: {  	_ = 	snop  }
0x3b: {  	_ = 	snop  }
0x3c: {  	p2 =	seq.s32 s10, $0x1;
	s10 =	sld [smem:$0x3FB8]  }
0x3d: {  	_ =	shalt  }
0x3e: {  	_ =	shalt  }
0x3f: {  	_ =	shalt  }
0x40: {  	_ =	shalt  }
0x41: {  	_ =	shalt  }
0x42: {  	_ =	shalt  }
0x43: {  	_ =	shalt  }
0x44: {  	_ =	shalt  }
0x45: {  	_ =	shalt  }
0x46: {  	_ =	shalt  }
0x47: {  	_ =	shalt  }
0x48: {  	_ =	shalt  }
0x49: {  	_ =	shalt  }
0x4a: {  	_ =	shalt  }
0x4b: {  	_ =	shalt  }
0x4c: {  	_ =	shalt  }
0x4d: {  	_ =	shalt  }
0x4e: {  	_ =	shalt  }
0x4f: {  	_ =	shalt  }
0x50: {  	_ =	shalt  }
0x51: {  	_ =	shalt  }
0x52: {  	_ =	shalt  }
0x53: {  	_ =	shalt  }
0x54: {  	_ =	shalt  }
0x55: {  	_ =	shalt  }
0x56: {  	_ =	shalt  }
0x57: {  	_ =	shalt  }
0x58: {  	_ =	shalt  }
0x59: {  	_ =	shalt  }
0x5a: {  	_ =	shalt  }
0x5b: {  	_ =	shalt  }
0x5c: {  	_ =	shalt  }
0x5d: {  	_ =	shalt  }
0x5e: {  	_ =	shalt  }
0x5f: {  	_ =	shalt  }
0x60: {  	_ =	shalt  }
0x61: {  	_ =	shalt  }
0x62: {  	_ =	shalt  }
0x63: {  	_ =	shalt  }
0x64: {  	_ =	shalt  }
0x65: {  	_ =	shalt  }
0x66: {  	_ =	shalt  }
0x67: {  	_ =	shalt  }
0x68: {  	_ =	shalt  }
0x69: {  	_ =	shalt  }
0x6a: {  	_ =	shalt  }
0x6b: {  	_ =	shalt  }
0x6c: {  	_ =	shalt  }
0x6d: {  	_ =	shalt  }
0x6e: {  	_ =	shalt  }
0x6f: {  	_ =	shalt  }
0x70: {  	_ =	shalt  }
0x71: {  	_ =	shalt  }
0x72: {  	_ =	shalt  }
0x73: {  	_ =	shalt  }
0x74: {  	_ =	shalt  }
0x75: {  	_ =	shalt  }
0x76: {  	_ =	shalt  }
0x77: {  	_ =	shalt  }
0x78: {  	_ =	shalt  }
0x79: {  	_ =	shalt  }
0x7a: {  	_ =	shalt  }
0x7b: {  	_ =	shalt  }
0x7c: {  	_ =	shalt  }
0x7d: {  	_ =	shalt  }
0x7e: {  	_ =	shalt  }
0x7f: {  	_ =	shalt  }
0x80: {  	_ =	shalt  }
0x81: {  	_ =	shalt  }
0x82: {  	_ =	shalt  }
0x83: {  	_ =	shalt  }
0x84: {  	_ =	shalt  }
0x85: {  	_ =	shalt  }
0x86: {  	_ =	shalt  }
0x87: {  	_ =	shalt  }
.Lfunc_end0:
.L_simem_size_0:
called_computation_lowered:
.L_overlay_start_0:
0x88: {  	s2 =	sld [smem:$0x3FD9]  }
0x89: {  	s3 =	sld [smem:$0x3FFE];
	_ =	sdelay $0x1  }
0x8a: {  	s1 =	srdreg.scid  }
0x8b: {  	s0 =	sand.u32 $0x1, s1  }
0x8c: {  	s17 =	sshll.u32 s0, $0xA;
	s2 =	sadd.s32 s3, s2  }
0x8d: {  	s2 =	sadd.s32 s2, s17  }
0x8e: {  	[smem:$0x3FC4] =	sst s2  }
0x8f: {  	_ = 	snop  }
0x90: {  	s2 =	sld [smem:$0x3FD0];
	(tm) =	ssettm $0x1  }
0x91: {  	s18 =	sld [smem:$0x3FFB];
	_ =	sdelay $0x3  }
0x92: {  	_ =	strace s18  }
0x93: {  	s3 =	sld [smem:$0x3FFC];
	_ =	sdelay $0x3  }
0x94: {  	_ =	strace s3  }
0x95: {  	s3 =	sld [smem:$0x3FFD];
	_ =	sdelay $0x3  }
0x96: {  	_ =	strace s3  }
0x97: {  	_ =	strace $0x8FFFFFFF  }
0x98: {  	s19 =	sld [smem:$0x3FDB];
	_ =	sdelay $0x1  }
0x99: {  	s4 =	simm.s32 $_scs_section_size  }
0x9a: {  	s5 =	simm.s32 $_size__tile_overlayer_lowered;
	s6 =	simm.s32 $_tile_overlayer_lowered  }
0x9b: {  	s22 =	simm.s32 $0x1BFF;
	s21 =	sshll.u32 s6, $0x1;
	s3 =	sadd.s32 s4, s19  }
0x9c: {  	s7 =	simm.s32 $0x0;
	s20 =	sshll.u32 s5, $0x1;
	s5 =	sadd.s32 s21, s3  }
0x9d: {  	[timem:s7], [sflag:s22] =	dma.local [hbm:s5], s20  }
0x9e: {  	_ =	swait.ge [sflag:s22], s20  }
0x9f: {  	s4 =	ssub.s32 $0x0, s20;
	[sflag:s22] =	ssyncset.done $0x0  }
0xa0: {  	[sflag:s22] =	ssyncadd.s32 s4;
	_ =	sdelay $0x1  }
0xa1: {  	s23 =	simm.s32 $0x1B8B  }
0xa2: {  	_ =	swait.ge [sflag:s23], $0x1  }
0xa3: {  	[sflag:s23] =	ssyncset.done $0x0  }
0xa4: {  	s25 =	simm.s32 $0x1B8E;
	s24 =	sld [smem:$0x3FFE];
	[sflag:s23] =	ssyncadd.s32 $0xFFFFFFFF  }
0xa5: {  	s26 =	simm.s32 $execute0_lowered;
	[smem:$0x3FD2] =	sst s25  }
0xa6: {  	s5 =	sshll.u32 s26, $0x1;
	_ =	strace $0x80000046;
	[dreg:$0x1] =	wrdreg $0xFFFFFFFF  }
0xa7: {  	s28 =	simm.s32 $_size_execute0_lowered;
	s3 =	sadd.s32 s3, s5;
	[dreg:$0x0] =	wrdreg $0x0  }
0xa8: {  	s5 =	sshll.u32 s28, $0x1;
	[dreg:$0x2] =	wrdreg s3  }
0xa9: {  	[dreg:$0x3] =	wrdreg s5  }
0xaa: {  	[dreg:$0x4] =	wrdreg $0xC0  }
0xab: {  	_ =	task [dreg:s7], $0x5FFFF  }
0xac: {  	[dreg:$0x1] =	wrdreg $0xFFFFFFFF  }
0xad: {  	[dreg:$0x0] =	wrdreg $0x60  }
0xae: {  	[dreg:$0x2] =	wrdreg s24  }
0xaf: {  	[dreg:$0x3] =	wrdreg s2  }
0xb0: {  	[dreg:$0x4] =	wrdreg $0x9  }
0xb1: {  	_ =	task.clear_ibuf [dreg:s7], $0x5FFFF;
	_ =	strace $0x90000046  }
0xb2: {  	s29 =	simm.s32 $0x9;
	_ =	strace $0x80000048  }
0xb3: {  	_ =	swait.ge [sflag:s29], $0x1  }
0xb4: {  	[sflag:s29] =	ssyncadd.s32 $0xFFFFFFFF  }
0xb5: {  	_ =	strace $0x90000048  }
0xb6: {  	_ =	sfence  }
0xb7: {  	s30 =	sld [smem:$0x0];
	_ =	sdelay $0x2  }
0xb8: {  	s31 =	sshll.u32 s1, $0xD;
	s1 =	sshrl.u32 s1, $0x2  }
0xb9: {  	s3 =	sand.u32 $0x4000, s31;
	s1 =	sadd.s32 s1, s30  }
0xba: {  	s0 =	sor.u32 s3, s0;
	s1 =	sshll.u32 s1, $0x11  }
0xbb: {  	s0 =	sor.u32 s1, s0  }
0xbc: {  	s0 =	sadd.s32 $0x8F2B, s0  }
0xbd: {  	[sflag:s0] =	ssyncadd.remote.s32 $0x1  }
0xbe: {  	_ =	sfence.sel $0xFFFF  }
0xbf: {  	[dreg:$0x0] =	wrdreg $0xFFFFFFFF;
	(pc) =	sbr.abs _section_cstart, $3  }
0xc0: {  	[dreg:$0x1] =	wrdreg $0xFFFFFFFF  }
0xc1: {  	_ =	task.clear_ibuf [dreg:s7], $0x2FFFF;
	_ =	strace $0x9FFFFFFF  }
0xc2: {  	(tm) =	ssettm $0x7FFFFFFF  }
0xc3: {  	_ =	shalt  }
tec
execute0_lowered:
.L_overlay_start_1:
0x0: {  	(tag) =	ssettag $0x1  }
0x1: {  	s1 =	srdreg.scid  }
0x2: {  	s14 =	rddreg [dreg:$0x0];
	s0 =	stileid.u32;
	s22 =	sand.u32 $0x1, s1  }
0x3: {  	s3 =	rddreg [dreg:$0x1];
	s4 =	sshll.u32 s0, $0xB;
	s5 =	sshll.u32 s22, $0xA  }
0x4: {  	s2 =	simm.s32 $0x0;
	s1 =	rddreg [dreg:$0x2];
	s15 =	sor.u32 s5, s4  }
0x5: {  	[smem:$0x7FF] =	sst s2;
	s4 =	sshrl.u32 s15, $0x3  }
0x6: {  	_ =	strace $0x80000047;
	s4 =	sadd.s32 s3, s4;
	s3 =	simm.s32 $0x3  }
0x7: {  	[tilespmem:s2], [sflag:$0x3] =	stream.linear.gather [hbm4b:s4+s2], $0x400, $0x38;
	[tilespmem:$0x10400] =	vst v63  }
0x8: {  	_ =	swait.ge [sflag:s3], $0x400  }
0x9: {  	s6 =	simm.s32 $0x80;
	[sflag:s3] =	ssyncset.done $0x0  }
0xa: {  	s7 =	simm.s32 $0x400;
	s5 =	sadd.s32 $0x187800, s14;
	[sflag:s3] =	ssyncadd.s32 $0xFFFFFC00  }
0xb: {  	[tilespmem:s7], [sflag:$0x1] =	stream.indirect.gather [hbm4b:s5+s6], $0x80, s2, s6, $0xb8;
	[tilespmem:$0x10400] =	vst v63  }
0xc: {  	s8 =	simm.s32 $0x4400  }
0xd: {  	[tilespmem:s8], [sflag:$0x1] =	stream.indirect.gather [hbm4b:s5+s6], $0x80, s6, s6, $0xb8;
	[tilespmem:$0x10400] =	vst v63  }
0xe: {  	s9 =	simm.s32 $0x100;
	s10 =	simm.s32 $0x8400  }
0xf: {  	[tilespmem:s10], [sflag:$0x2] =	stream.indirect.gather [hbm4b:s5+s6], $0x80, s9, s6, $0xb8;
	[tilespmem:$0x10400] =	vst v63  }
0x10: {  	s11 =	simm.s32 $0x180;
	s12 =	simm.s32 $0xC400;
	s13 =	simm.s32 $0x1  }
0x11: {  	[tilespmem:s12], [sflag:$0x2] =	stream.indirect.gather [hbm4b:s5+s6], $0x80, s11, s6, $0xb8;
	[tilespmem:$0x10400] =	vst v63  }
0x12: {  	_ =	swait.ge [sflag:s13], $0x4000  }
0x13: {  	[sflag:s13] =	ssyncset.done $0x0  }
0x14: {  	[sflag:s13] =	ssyncadd.s32 $0xFFFFC000  }
0x15: {  	s15 =	sshll.u32 s15, $0x4;
	_ =	swait.ge [sflag:s13], $0x4000  }
0x16: {  	s23 =	sadd.s32 s15, s14;
	[sflag:s13] =	ssyncset.done $0x0  }
0x17: {  	s14 =	sadd.s32 $0xE00, s23;
	[sflag:s13] =	ssyncadd.s32 $0xFFFFC000  }
0x18: {  	[hbm4b:s14+s2] =	stream.linear.scatter [tilespmem:s7], [sflag:$0x3], $0x8000, $0x38;
	[tilespmem:$0x10400] =	vst v63  }
0x19: {  	_ =	swait.ge [sflag:s3], $0x8000  }
0x1a: {  	[sflag:s3] =	ssyncset.done $0x0  }
0x1b: {  	s15 =	simm.s32 $0x200;
	[sflag:s3] =	ssyncadd.s32 $0xFFFF8000  }
0x1c: {  	[tilespmem:s7], [sflag:$0x1] =	stream.indirect.gather [hbm4b:s5+s6], $0x80, s15, s6, $0xb8;
	[tilespmem:$0x10400] =	vst v63  }
0x1d: {  	s16 =	simm.s32 $0x280;
	s17 =	simm.s32 $0x2  }
0x1e: {  	[tilespmem:s8], [sflag:$0x1] =	stream.indirect.gather [hbm4b:s5+s6], $0x80, s16, s6, $0xb8;
	[tilespmem:$0x10400] =	vst v63  }
0x1f: {  	_ =	swait.ge [sflag:s17], $0x4000  }
0x20: {  	[sflag:s17] =	ssyncset.done $0x0  }
0x21: {  	[sflag:s17] =	ssyncadd.s32 $0xFFFFC000  }
0x22: {  	_ =	swait.ge [sflag:s17], $0x4000  }
0x23: {  	[sflag:s17] =	ssyncset.done $0x0  }
0x24: {  	s18 =	sadd.s32 $0x1E00, s23;
	[sflag:s17] =	ssyncadd.s32 $0xFFFFC000  }
0x25: {  	[hbm4b:s18+s2] =	stream.linear.scatter [tilespmem:s10], [sflag:$0x3], $0x8000, $0x38;
	[tilespmem:$0x10400] =	vst v63  }
0x26: {  	_ =	swait.ge [sflag:s3], $0x8000  }
0x27: {  	[sflag:s3] =	ssyncset.done $0x0  }
0x28: {  	s19 =	simm.s32 $0x300;
	[sflag:s3] =	ssyncadd.s32 $0xFFFF8000  }
0x29: {  	[tilespmem:s10], [sflag:$0x2] =	stream.indirect.gather [hbm4b:s5+s6], $0x80, s19, s6, $0xb8;
	[tilespmem:$0x10400] =	vst v63  }
0x2a: {  	s20 =	simm.s32 $0x380  }
0x2b: {  	[tilespmem:s12], [sflag:$0x2] =	stream.indirect.gather [hbm4b:s5+s6], $0x80, s20, s6, $0xb8;
	[tilespmem:$0x10400] =	vst v63  }
0x2c: {  	_ =	swait.ge [sflag:s13], $0x4000  }
0x2d: {  	[sflag:s13] =	ssyncset.done $0x0  }
0x2e: {  	[sflag:s13] =	ssyncadd.s32 $0xFFFFC000  }
0x2f: {  	_ =	swait.ge [sflag:s13], $0x4000  }
0x30: {  	[sflag:s13] =	ssyncset.done $0x0  }
0x31: {  	s21 =	sadd.s32 $0x2E00, s23;
	[sflag:s13] =	ssyncadd.s32 $0xFFFFC000  }
0x32: {  	[hbm4b:s21+s2] =	stream.linear.scatter [tilespmem:s7], [sflag:$0x3], $0x8000, $0x38;
	[tilespmem:$0x10400] =	vst v63  }
0x33: {  	_ =	swait.ge [sflag:s3], $0x8000  }
0x34: {  	[sflag:s3] =	ssyncset.done $0x0  }
0x35: {  	s22 =	ssub.s32 $0x2, s22;
	[sflag:s3] =	ssyncadd.s32 $0xFFFF8000  }
0x36: {  	s24 =	sshrl.u32 s22, $0x1;
	_ =	swait.ge [sflag:s17], $0x4000  }
0x37: {  	s24 =	ssub.s32 s22, s24;
	[sflag:s17] =	ssyncset.done $0x0  }
0x38: {  	s31 =	smax.u32 s24, $0x1;
	[sflag:s17] =	ssyncadd.s32 $0xFFFFC000  }
0x39: {  	p0 =	sne.s32 s31, $0x1;
	_ =	swait.ge [sflag:s17], $0x4000  }
.Ltmp0:
0x3a: {  	[sflag:s17] =	ssyncset.done $0x0;
	(pc) =	sbr.rel @!p0 .LBB2_2-.Ltmp0, $4  }
0x3b: {  	s22 =	sadd.s32 $0x3E00, s23;
	[sflag:s17] =	ssyncadd.s32 $0xFFFFC000  }
0x3c: {  	[hbm4b:s22+s2] =	stream.linear.scatter [tilespmem:s10], [sflag:$0x3], $0x8000, $0x38;
	[tilespmem:$0x10400] =	vst v63  }
0x3d: {  	_ =	swait.ge [sflag:s3], $0x8000  }
0x3e: {  	s23 =	sadd.s32 $0xFFFFFFFF, s31;
	[sflag:s3] =	ssyncset.done $0x0  }
.LBB2_1:
0x3f: {  	p0 =	sne.s32 s23, $0x1;
	s23 =	sadd.s32 $0xFFFFFFFF, s23;
	[sflag:s3] =	ssyncadd.s32 $0xFFFF8000  }
0x40: {  	[tilespmem:s2], [sflag:$0x3] =	stream.linear.gather [hbm4b:s4+s2], $0x400, $0x38;
	[tilespmem:$0x10400] =	vst v63  }
0x41: {  	_ =	swait.ge [sflag:s3], $0x400  }
0x42: {  	[sflag:s3] =	ssyncset.done $0x0  }
0x43: {  	[sflag:s3] =	ssyncadd.s32 $0xFFFFFC00  }
0x44: {  	[tilespmem:s7], [sflag:$0x1] =	stream.indirect.gather [hbm4b:s5+s6], $0x80, s2, s6, $0xb8;
	[tilespmem:$0x10400] =	vst v63  }
0x45: {  	_ = 	snop  }
0x46: {  	[tilespmem:s8], [sflag:$0x1] =	stream.indirect.gather [hbm4b:s5+s6], $0x80, s6, s6, $0xb8;
	[tilespmem:$0x10400] =	vst v63  }
0x47: {  	_ = 	snop  }
0x48: {  	[tilespmem:s10], [sflag:$0x2] =	stream.indirect.gather [hbm4b:s5+s6], $0x80, s9, s6, $0xb8;
	[tilespmem:$0x10400] =	vst v63  }
0x49: {  	_ = 	snop  }
0x4a: {  	[tilespmem:s12], [sflag:$0x2] =	stream.indirect.gather [hbm4b:s5+s6], $0x80, s11, s6, $0xb8;
	[tilespmem:$0x10400] =	vst v63  }
0x4b: {  	_ =	swait.ge [sflag:s13], $0x4000  }
0x4c: {  	[sflag:s13] =	ssyncset.done $0x0  }
0x4d: {  	[sflag:s13] =	ssyncadd.s32 $0xFFFFC000  }
0x4e: {  	_ =	swait.ge [sflag:s13], $0x4000  }
0x4f: {  	[sflag:s13] =	ssyncset.done $0x0  }
0x50: {  	[sflag:s13] =	ssyncadd.s32 $0xFFFFC000  }
0x51: {  	[hbm4b:s14+s2] =	stream.linear.scatter [tilespmem:s7], [sflag:$0x3], $0x8000, $0x38;
	[tilespmem:$0x10400] =	vst v63  }
0x52: {  	_ =	swait.ge [sflag:s3], $0x8000  }
0x53: {  	[sflag:s3] =	ssyncset.done $0x0  }
0x54: {  	[sflag:s3] =	ssyncadd.s32 $0xFFFF8000  }
0x55: {  	[tilespmem:s7], [sflag:$0x1] =	stream.indirect.gather [hbm4b:s5+s6], $0x80, s15, s6, $0xb8;
	[tilespmem:$0x10400] =	vst v63  }
0x56: {  	_ = 	snop  }
0x57: {  	[tilespmem:s8], [sflag:$0x1] =	stream.indirect.gather [hbm4b:s5+s6], $0x80, s16, s6, $0xb8;
	[tilespmem:$0x10400] =	vst v63  }
0x58: {  	_ =	swait.ge [sflag:s17], $0x4000  }
0x59: {  	[sflag:s17] =	ssyncset.done $0x0  }
0x5a: {  	[sflag:s17] =	ssyncadd.s32 $0xFFFFC000  }
0x5b: {  	_ =	swait.ge [sflag:s17], $0x4000  }
0x5c: {  	[sflag:s17] =	ssyncset.done $0x0  }
0x5d: {  	[sflag:s17] =	ssyncadd.s32 $0xFFFFC000  }
0x5e: {  	[hbm4b:s18+s2] =	stream.linear.scatter [tilespmem:s10], [sflag:$0x3], $0x8000, $0x38;
	[tilespmem:$0x10400] =	vst v63  }
0x5f: {  	_ =	swait.ge [sflag:s3], $0x8000  }
0x60: {  	[sflag:s3] =	ssyncset.done $0x0  }
0x61: {  	[sflag:s3] =	ssyncadd.s32 $0xFFFF8000  }
0x62: {  	[tilespmem:s10], [sflag:$0x2] =	stream.indirect.gather [hbm4b:s5+s6], $0x80, s19, s6, $0xb8;
	[tilespmem:$0x10400] =	vst v63  }
0x63: {  	_ = 	snop  }
0x64: {  	[tilespmem:s12], [sflag:$0x2] =	stream.indirect.gather [hbm4b:s5+s6], $0x80, s20, s6, $0xb8;
	[tilespmem:$0x10400] =	vst v63  }
0x65: {  	_ =	swait.ge [sflag:s13], $0x4000  }
0x66: {  	[sflag:s13] =	ssyncset.done $0x0  }
0x67: {  	[sflag:s13] =	ssyncadd.s32 $0xFFFFC000  }
0x68: {  	_ =	swait.ge [sflag:s13], $0x4000  }
0x69: {  	[sflag:s13] =	ssyncset.done $0x0  }
0x6a: {  	[sflag:s13] =	ssyncadd.s32 $0xFFFFC000  }
0x6b: {  	[hbm4b:s21+s2] =	stream.linear.scatter [tilespmem:s7], [sflag:$0x3], $0x8000, $0x38;
	[tilespmem:$0x10400] =	vst v63  }
0x6c: {  	_ =	swait.ge [sflag:s3], $0x8000  }
0x6d: {  	[sflag:s3] =	ssyncset.done $0x0  }
0x6e: {  	[sflag:s3] =	ssyncadd.s32 $0xFFFF8000  }
0x6f: {  	_ =	swait.ge [sflag:s17], $0x4000  }
0x70: {  	[sflag:s17] =	ssyncset.done $0x0  }
0x71: {  	[sflag:s17] =	ssyncadd.s32 $0xFFFFC000  }
0x72: {  	_ =	swait.ge [sflag:s17], $0x4000  }
.Ltmp1:
0x73: {  	[sflag:s17] =	ssyncset.done $0x0;
	(pc) =	sbr.rel @p0 .LBB2_1-.Ltmp1, $4  }
0x74: {  	[sflag:s17] =	ssyncadd.s32 $0xFFFFC000  }
0x75: {  	[hbm4b:s22+s2] =	stream.linear.scatter [tilespmem:s10], [sflag:$0x3], $0x8000, $0x38;
	[tilespmem:$0x10400] =	vst v63  }
0x76: {  	_ =	swait.ge [sflag:s3], $0x8000  }
0x77: {  	[sflag:s3] =	ssyncset.done $0x0  }
.LBB2_2:
0x78: {  	[sflag:s3] =	ssyncadd.s32 $0xFFFF8000  }
0x79: {  	_ =	sfence.sel $0x180000  }
0x7a: {  	[bflag:$0x0] =	sbarrier.arrive $0xFFFF  }
0x7b: {  	p0 =	sne.s32 s0, $0x0;
	_ =	strace $0x90000047  }
0x7c: {  	s0 =	sadd.s32 @!p0 $0x100000, s1;
	[bflag:$0x2] =	sbarrier.arrive $0xFFFF  }
0x7d: {  	[sflag:s0] =	ssyncadd.tile.s32 @!p0 $0x1;
	_ =	shalt  }
.Lfunc_end2:
_tile_overlayer_lowered:
.L_overlay_start_2:
0x7e: {  	(tag) =	ssettag $0x2  }
0x7f: {  	s0 =	rddreg [dreg:$0x0];
	s2 =	stileid.u32  }
0x80: {  	s1 =	rddreg [dreg:$0x1];
	p0 =	sne.s32 s2, $0x0  }
0x81: {  	s3 =	rddreg [dreg:$0x2];
	[bflag:$0x3] =	sbarrier.arrive $0xFFFF;
	s2 =	simm.s32 @!p0 $0x1C03  }
0x82: {  	[timem:s3], [sflag:s2] =	dma.local @!p0 [hbm:s0], s1  }
0x83: {  	s0 =	simm.s32 @!p0 $0x3  }
0x84: {  	_ =	swait.ge @!p0 [sflag:s0], s1  }
0x85: {  	s1 =	ssub.s32 @!p0 $0x0, s1;
	[sflag:s0] =	ssyncset.done @!p0 $0x0  }
0x86: {  	[sflag:s0] =	ssyncadd.s32 @!p0 s1  }
0x87: {  	[bflag:$0x3] =	sbarrier.arrive $0xFFFF  }
0x88: {  	_ =	shalt  }

</sc_bundles>
